<compile_context>
chip_gen: v7x
topology: tpu7x:2x2x1
jax: 0.10.2.dev20260603
libtpu: 0.0.44.dev20260713+nightly
codegen_flags: <defaults>
</compile_context>

<pallas_src>
import jax
import jax.numpy as jnp
from jax.experimental import pallas as pl
from jax.experimental.pallas import tpu as pltpu

N_ROWS = 16384
N_COLS = 1000
BLOCK_ROWS = 2048
GRID = N_ROWS // BLOCK_ROWS
NUM_SAVED = N_ROWS // 2


def _lse_kernel(x_ref, out_ref):
    i = pl.program_id(0)
    x = x_ref[...]
    out_ref[i, :] = jnp.log(jnp.sum(jnp.exp(x), axis=1))


def _select_kernel(lse_ref, xt_ref, out_ref):
    loss = lse_ref[...] - xt_ref[...]
    b = jax.lax.bitcast_convert_type(loss, jnp.int32)
    m = jnp.where(b >= 0, b, b ^ jnp.int32(0x7FFFFFFF))
    u = jax.lax.bitcast_convert_type(m, jnp.uint32) ^ jnp.uint32(0x80000000)
    k = jnp.int32(NUM_SAVED)

    def bit_step(bit, acc):
        cand = acc | (jnp.uint32(1) << jnp.uint32(31 - bit))
        cnt = jnp.sum((u >= cand).astype(jnp.int32))
        return jnp.where(cnt >= k, cand, acc)

    sel = jax.lax.fori_loop(0, 32, bit_step, jnp.uint32(0))
    above = u > sel
    c_above = jnp.sum(above.astype(jnp.float32))
    s_above = jnp.sum(jnp.where(above, loss, 0.0))
    mv = jax.lax.bitcast_convert_type(sel ^ jnp.uint32(0x80000000), jnp.int32)
    bv = jnp.where(mv >= 0, mv, mv ^ jnp.int32(0x7FFFFFFF))
    v = jax.lax.bitcast_convert_type(bv, jnp.float32)
    total = s_above + (jnp.float32(NUM_SAVED) - c_above) * v
    out_ref[...] = jnp.reshape(total / jnp.float32(NUM_SAVED), (1, 1))


@jax.jit
def kernel(logits, target):
    lse = pl.pallas_call(
        _lse_kernel,
        grid=(GRID,),
        in_specs=[pl.BlockSpec((BLOCK_ROWS, N_COLS), lambda i: (i, 0))],
        out_specs=pl.BlockSpec((GRID, BLOCK_ROWS), lambda i: (0, 0)),
        out_shape=jax.ShapeDtypeStruct((GRID, BLOCK_ROWS), jnp.float32),
    )(logits)
    xt = jnp.take_along_axis(logits, target[:, None].astype(jnp.int32), axis=-1)
    xt2 = xt.reshape(GRID, BLOCK_ROWS)
    out = pl.pallas_call(
        _select_kernel,
        out_shape=jax.ShapeDtypeStruct((1, 1), jnp.float32),
    )(lse, xt2)
    return out[0, 0]

# --- scband reference (transcript-rebuilt; emitter-appended) ---
"""Pipeline reference for scband-hard-mining-31593779429942 (READ-ONLY COPY).

The authoritative reference and input builder live on the scoring server;
editing this copy changes nothing except your own understanding.
"""

import jax, jax.numpy as jnp
import numpy as np

SAVE_RATE = 0.5

def setup_inputs(seed: int = 0) -> dict:
    key = jax.random.key(seed)
    k1, k2 = jax.random.split(key)
    logits = jax.random.normal(k1, (16384, 1000), dtype=jnp.float32)
    target = jax.random.randint(k2, (16384,), 0, 1000, dtype=jnp.int64)
    return {"logits": logits, "target": target}

def reference(logits, target):
    # per-sample cross entropy (reduction='none')
    logp = jax.nn.log_softmax(logits, axis=-1)
    loss = -jnp.take_along_axis(logp, target[:, None], axis=-1)[:, 0]
    # sort losses descending, keep hardest save_rate * batch examples
    ind_sorted = jnp.argsort(-loss)
    batch_size = logits.shape[0]
    num_saved = int(SAVE_RATE * batch_size)
    ind_update = ind_sorted[:num_saved]
    loss_kept = jnp.take(loss, ind_update, axis=0)
    # reduction='mean'
    return loss_kept.mean()

if __name__ == "__main__":
    import jax
    _d = setup_inputs()
    print(jax.jit(kernel)(*tuple(_d.values())))

</pallas_src>

<mosaic_0001>
module attributes {stable_mosaic.version = 14 : i64} {
  func.func @_select_kernel(%arg0: memref<8x2048xf32, #tpu.memory_space<vmem>>, %arg1: memref<8x2048xf32, #tpu.memory_space<vmem>>, %arg2: memref<1x1xf32, #tpu.memory_space<vmem>>) attributes {dimension_semantics = [], scalar_prefetch = 0 : i64, scratch_operands = 0 : i64, tpu.core_type = #tpu.core_type<tc>} {
    %get3A = arith.constant 0 : index
    %get3A_0 = arith.constant 0 : index
    %get3A_1 = vector.load %arg0[%get3A, %get3A_0] : memref<8x2048xf32, #tpu.memory_space<vmem>>, vector<8x2048xf32>
    %get3A_2 = arith.constant 0 : index
    %get3A_3 = arith.constant 0 : index
    %get3A_4 = vector.load %arg1[%get3A_2, %get3A_3] : memref<8x2048xf32, #tpu.memory_space<vmem>>, vector<8x2048xf32>
    %sub3A = arith.subf %get3A_1, %get3A_4 : vector<8x2048xf32>
    %bitcast_convert_type3A = tpu.bitcast %sub3A : vector<8x2048xf32> -> vector<8x2048xi32>
    %ge3A = arith.constant 0 : i32
    %ge3A_5 = vector.broadcast %ge3A : i32 to vector<8x2048xi32>
    %ge3A_6 = arith.cmpi sge, %bitcast_convert_type3A, %ge3A_5 : vector<8x2048xi32>
    %xor3A = arith.constant 2147483647 : i32
    %xor3A_7 = vector.broadcast %xor3A : i32 to vector<8x2048xi32>
    %xor3A_8 = arith.xori %bitcast_convert_type3A, %xor3A_7 : vector<8x2048xi32>
    %select_n3A = arith.select %ge3A_6, %bitcast_convert_type3A, %xor3A_8 : vector<8x2048xi1>, vector<8x2048xi32>
    %bitcast_convert_type3A_9 = tpu.bitcast %select_n3A : vector<8x2048xi32> -> vector<8x2048xi32>
    %xor3A_10 = arith.constant -2147483648 : i32
    %xor3A_11 = vector.broadcast %xor3A_10 : i32 to vector<8x2048xi32>
    %xor3A_12 = arith.xori %bitcast_convert_type3A_9, %xor3A_11 : vector<8x2048xi32>
    %scan3A = arith.constant 8192 : i32
    %scan3A_13 = arith.constant 0 : i32
    %scan3A_14 = arith.constant 0 : i32
    %scan3A_15 = arith.constant 32 : i32
    %scan3A_16 = arith.addi %scan3A_14, %scan3A_15 : i32
    %scan3A_17 = arith.constant 1 : i32
    %scan3A_18 = scf.for %scan3A_46 = %scan3A_14 to %scan3A_16 step %scan3A_17 iter_args(%scan3A_47 = %scan3A_13) -> (i32)  : i32 {
      %sub3A_48 = arith.constant 31 : i32
      %sub3A_49 = arith.subi %sub3A_48, %scan3A_46 : i32
      %shift_left3A = arith.constant 1 : i32
      %shift_left3A_50 = arith.shli %shift_left3A, %sub3A_49 : i32
      %or3A = arith.ori %scan3A_47, %shift_left3A_50 : i32
      %ge3A_51 = vector.broadcast %or3A : i32 to vector<8x2048xi32>
      %ge3A_52 = arith.cmpi uge, %xor3A_12, %ge3A_51 : vector<8x2048xi32>
      %convert_element_type3A_53 = arith.extui %ge3A_52 : vector<8x2048xi1> to vector<8x2048xi32>
      %reduce_sum3A_54 = vector.shape_cast %convert_element_type3A_53 : vector<8x2048xi32> to vector<1x8x2048xi32>
      %reduce_sum3A_55 = arith.constant dense<0> : vector<1xi32>
      %reduce_sum3A_56 = vector.multi_reduction <add>, %reduce_sum3A_54, %reduce_sum3A_55 [1, 2] : vector<1x8x2048xi32> to vector<1xi32>
      %reduce_sum3A_57 = vector.shape_cast %reduce_sum3A_56 : vector<1xi32> to vector<1x1x1xi32>
      %reduce_sum3A_58 = vector.extract %reduce_sum3A_57[0, 0, 0] : i32 from vector<1x1x1xi32>
      %ge3A_59 = arith.cmpi sge, %reduce_sum3A_58, %scan3A : i32
      %select_n3A_60 = arith.select %ge3A_59, %or3A, %scan3A_47 : i32
      scf.yield %select_n3A_60 : i32
    }
    %scan3A_19 = arith.constant 32 : i32
    %gt3A = vector.broadcast %scan3A_18 : i32 to vector<8x2048xi32>
    %gt3A_20 = arith.cmpi ugt, %xor3A_12, %gt3A : vector<8x2048xi32>
    %convert_element_type3A = arith.extui %gt3A_20 : vector<8x2048xi1> to vector<8x2048xi32>
    %convert_element_type3A_21 = arith.sitofp %convert_element_type3A : vector<8x2048xi32> to vector<8x2048xf32>
    %reduce_sum3A = vector.shape_cast %convert_element_type3A_21 : vector<8x2048xf32> to vector<1x8x2048xf32>
    %reduce_sum3A_22 = arith.constant dense<0.000000e+00> : vector<1xf32>
    %reduce_sum3A_23 = vector.multi_reduction <add>, %reduce_sum3A, %reduce_sum3A_22 [1, 2] : vector<1x8x2048xf32> to vector<1xf32>
    %reduce_sum3A_24 = vector.shape_cast %reduce_sum3A_23 : vector<1xf32> to vector<1x1x1xf32>
    %reduce_sum3A_25 = vector.extract %reduce_sum3A_24[0, 0, 0] : f32 from vector<1x1x1xf32>
    %jit3A = arith.constant 0.000000e+00 : f32
    %broadcast_in_dim3A = vector.broadcast %jit3A : f32 to vector<8x2048xf32>
    %select_n3A_26 = arith.select %gt3A_20, %sub3A, %broadcast_in_dim3A : vector<8x2048xi1>, vector<8x2048xf32>
    %reduce_sum3A_27 = vector.shape_cast %select_n3A_26 : vector<8x2048xf32> to vector<1x8x2048xf32>
    %reduce_sum3A_28 = arith.constant dense<0.000000e+00> : vector<1xf32>
    %reduce_sum3A_29 = vector.multi_reduction <add>, %reduce_sum3A_27, %reduce_sum3A_28 [1, 2] : vector<1x8x2048xf32> to vector<1xf32>
    %reduce_sum3A_30 = vector.shape_cast %reduce_sum3A_29 : vector<1xf32> to vector<1x1x1xf32>
    %reduce_sum3A_31 = vector.extract %reduce_sum3A_30[0, 0, 0] : f32 from vector<1x1x1xf32>
    %xor3A_32 = arith.constant -2147483648 : i32
    %xor3A_33 = arith.xori %scan3A_18, %xor3A_32 : i32
    %bitcast_convert_type3A_34 = arith.bitcast %xor3A_33 : i32 to i32
    %ge3A_35 = arith.constant 0 : i32
    %ge3A_36 = arith.cmpi sge, %bitcast_convert_type3A_34, %ge3A_35 : i32
    %xor3A_37 = arith.constant 2147483647 : i32
    %xor3A_38 = arith.xori %bitcast_convert_type3A_34, %xor3A_37 : i32
    %select_n3A_39 = arith.select %ge3A_36, %bitcast_convert_type3A_34, %xor3A_38 : i32
    %bitcast_convert_type3A_40 = arith.bitcast %select_n3A_39 : i32 to f32
    %sub3A_41 = arith.constant 8.192000e+03 : f32
    %sub3A_42 = arith.subf %sub3A_41, %reduce_sum3A_25 : f32
    %mul3A = arith.mulf %sub3A_42, %bitcast_convert_type3A_40 : f32
    %add3A = arith.addf %reduce_sum3A_31, %mul3A : f32
    %div3A = arith.constant 8.192000e+03 : f32
    %div3A_43 = arith.divf %add3A, %div3A : f32
    %reshape3A = vector.broadcast %div3A_43 : f32 to vector<1x1xf32>
    %swap3A = arith.constant 0 : index
    %swap3A_44 = arith.constant 0 : index
    %swap3A_45 = vector.load %arg2[%swap3A, %swap3A_44] : memref<1x1xf32, #tpu.memory_space<vmem>>, vector<1x1xf32>
    tpu.vector_store %arg2[%swap3A, %swap3A_44], %reshape3A {strides = array<i32>} : memref<1x1xf32, #tpu.memory_space<vmem>>, vector<1x1xf32>,
    return
  }
}

module attributes {stable_mosaic.version = 14 : i64} {
  func.func @_lse_kernel(%arg0: i32, %arg1: memref<2048x1000xf32, #tpu.memory_space<vmem>>, %arg2: memref<8x2048xf32, #tpu.memory_space<vmem>>) attributes {dimension_semantics = [#tpu.dimension_semantics<arbitrary>], iteration_bounds = array<i64: 8>, scalar_prefetch = 0 : i64, scratch_operands = 0 : i64, tpu.core_type = #tpu.core_type<tc>, window_params = [{transform_indices = @transform_0, window_bounds = array<i64: 2048, 1000>}, {pipeline_mode = #tpu.pipeline_mode<synchronous>, transform_indices = @transform_1, window_bounds = array<i64: 8, 2048>}]} {
    %get3A = arith.constant 0 : index
    %get3A_0 = arith.constant 0 : index
    %get3A_1 = vector.load %arg1[%get3A, %get3A_0] : memref<2048x1000xf32, #tpu.memory_space<vmem>>, vector<2048x1000xf32>
    %exp3A = math.exp %get3A_1 : vector<2048x1000xf32>
    %reduce_sum3A = arith.constant dense<0.000000e+00> : vector<2048xf32>
    %reduce_sum3A_2 = vector.multi_reduction <add>, %exp3A, %reduce_sum3A [1] : vector<2048x1000xf32> to vector<2048xf32>
    %log3A = math.log %reduce_sum3A_2 : vector<2048xf32>
    %swap3A = arith.index_cast %arg0 : i32 to index
    %swap3A_3 = arith.constant 0 : index
    %swap3A_4 = vector.load %arg2[%swap3A, %swap3A_3] : memref<8x2048xf32, #tpu.memory_space<vmem>>, vector<1x2048xf32>
    %swap3A_5 = vector.shape_cast %swap3A_4 : vector<1x2048xf32> to vector<2048xf32>
    %swap3A_6 = vector.shape_cast %log3A : vector<2048xf32> to vector<1x2048xf32>
    tpu.vector_store %arg2[%swap3A, %swap3A_3], %swap3A_6 {strides = array<i32>} : memref<8x2048xf32, #tpu.memory_space<vmem>>, vector<1x2048xf32>,
    return
  }
  func.func @transform_0(%arg0: i32) -> (i32, i32) {
    %c0_i32 = arith.constant 0 : i32
    %c0_i32_0 = arith.constant 0 : i32
    return %arg0, %c0_i32 : i32, i32
  }
  func.func @transform_1(%arg0: i32) -> (i32, i32) {
    %c0_i32 = arith.constant 0 : i32
    %c0_i32_0 = arith.constant 0 : i32
    %c0_i32_1 = arith.constant 0 : i32
    return %c0_i32, %c0_i32_0 : i32, i32
  }
}

</mosaic_0001>

<sc_bundles>
// kernel: gather_offload_async_start
scs
__scs_entry_jumppad:
0x0: {  	(pc) =	sbr.rel $0x88, $3  }
0x1: {  	(tag) =	ssettag $0x0;
	lr =	simm.s32 $0x1  }
0x2: {  	[smem:$0x3F9F] =	sst lr;
	_ =	strace $0xD0000000  }
0x3: {  	_ = 	snop  }
0x4: {  	_ = 	snop  }
0x5: {  	_ = 	snop  }
0x6: {  	_ = 	snop  }
0x7: {  	_ = 	snop  }
__scs_overlays_trampoline_lowered:
0x8: {  	[smem:$0x3FAE] =	sst s0  }
0x9: {  	[smem:$0x3FAF] =	sst s1  }
0xa: {  	[smem:$0x3FB0] =	sst s2  }
0xb: {  	[smem:$0x3FB1] =	sst s3  }
0xc: {  	[smem:$0x3FB2] =	sst s4  }
0xd: {  	[smem:$0x3FB3] =	sst s5  }
0xe: {  	[smem:$0x3FB4] =	sst s6  }
0xf: {  	[smem:$0x3FB5] =	sst s7  }
0x10: {  	[smem:$0x3FB6] =	sst s8  }
0x11: {  	[smem:$0x3FB7] =	sst s9;
	s0 =	simm.s32 @!p0 $0x0  }
0x12: {  	s1 =	sld [smem:$0x3F9D];
	s0 =	simm.s32 @p0 $0x1  }
0x13: {  	[smem:$0x3FB8] =	sst s0;
	s0 =	simm.s32 @!p1 $0x0  }
0x14: {  	s2 =	sld [smem:$0x3F9C];
	s0 =	simm.s32 @p1 $0x1  }
0x15: {  	[smem:$0x3FB9] =	sst s0;
	s0 =	simm.s32 @!p2 $0x0  }
0x16: {  	s3 =	sld [smem:$0x3FDB];
	s0 =	simm.s32 @p2 $0x1  }
0x17: {  	s4 =	simm.s32 $0x1BF5;
	[smem:$0x3FBB] =	sst s0  }
0x18: {  	s0 =	sld [smem:$0x3F9E];
	_ =	swait.ge [sflag:s4], $0x0  }
0x19: {  	s7 =	sld [smem:$0x3F9F]  }
0x1a: {  	s8 =	sadd.s32 $0xFFFFE003, lr  }
0x1b: {  	s9 =	sadd.s32 $0xFFFFFEF7, lr;
	s5 =	simm.s32 $0xFFFFFFFF;
	p2 =	slt.u32 s8, $0xFFFFF086  }
0x1c: {  	p1 =	slt.u32 s9, $0xF7A;
	s5 =	simm.s32 @!p2 $0x0  }
0x1d: {  	s5 =	simm.s32 @p1 $0x1;
	p0 =	seq.s32 s7, s2  }
0x1e: {  	s7 =	smul.u32 @!p0 $0xF7A, s2;
	p2 =	seq.s32 @!p0 s5, $0x0  }
0x1f: {  	s9 =	smul.u32 $0xF7A, s1;
	s8 =	simm.s32 @!p0 $0x1BF5;
	p2 =	por !p2, p0  }
0x20: {  	[sflag:s8] =	ssyncset.s32 @!p0 $0xFFFFF086;
	s6 =	sadd.s32 @!p0 s3, s7;
	s7 =	simm.s32 @!p0 $0x108  }
0x21: {  	s3 =	sadd.s32 s3, s9;
	s6 =	sadd.s32 @!p0 $0x88, s6;
	s7 =	simm.s32 @p2 $0x1082  }
0x22: {  	[simem:s7], [sflag:s8] =	dma.local @!p0 [hbm:s6], $0xF7A  }
0x23: {  	s9 =	sor.u32 $0xD0000000, s2;
	s6 =	simm.s32 $0x108;
	_ =	swait.ge @!p0 [sflag:s8], $0x0  }
0x24: {  	s3 =	sadd.s32 $0x88, s3;
	s6 =	simm.s32 @!p1 $0x1082;
	[sflag:s4] =	ssyncset.s32 $0xFFFFF086  }
0x25: {  	[simem:s6], [sflag:s4] =	dma.local [hbm:s3], $0xF7A  }
0x26: {  	[smem:$0x3F9F] =	sst s1;
	(tag) =	ssettag s2;
	_ =	strace s9  }
0x27: {  	s1 =	sld [smem:$0x3FAF]  }
0x28: {  	s2 =	sld [smem:$0x3FB0]  }
0x29: {  	s4 =	sld [smem:$0x3FB2]  }
0x2a: {  	p0 =	seq.s32 s5, $0x0;
	s5 =	sld [smem:$0x3FB3]  }
0x2b: {  	s6 =	sld [smem:$0x3FB4]  }
0x2c: {  	s7 =	sld [smem:$0x3FB5]  }
0x2d: {  	s3 =	simm.s32 $0x108;
	s8 =	sld [smem:$0x3FB6]  }
0x2e: {  	s3 =	simm.s32 @!p0 $0x1082;
	s9 =	sld [smem:$0x3FB7]  }
0x2f: {  	lr =	sadd.s32 s0, s3;
	s0 =	sld [smem:$0x3FAE]  }
0x30: {  	s3 =	sld [smem:$0x3FB1]  }
0x31: {  	[smem:$0x3FBA] =	sst s10  }
0x32: {  	s10 =	sld [smem:$0x3FB8];
	_ =	sdelay $0x3  }
0x33: {  	p0 =	seq.s32 s10, $0x1;
	s10 =	sld [smem:$0x3FBA];
	_ =	sdelay $0x3  }
0x34: {  	[smem:$0x3FBA] =	sst s10  }
0x35: {  	s10 =	sld [smem:$0x3FB9];
	_ =	sdelay $0x3  }
0x36: {  	p1 =	seq.s32 s10, $0x1;
	s10 =	sld [smem:$0x3FBA];
	_ =	sdelay $0x3  }
0x37: {  	[smem:$0x3FBA] =	sst s10  }
0x38: {  	s10 =	sld [smem:$0x3FBB]  }
0x39: {  	_ = 	snop;
	(pc) =	sbr.ind lr, $3  }
0x3a: {  	_ = 	snop  }
0x3b: {  	_ = 	snop  }
0x3c: {  	p2 =	seq.s32 s10, $0x1;
	s10 =	sld [smem:$0x3FBA]  }
0x3d: {  	_ =	shalt  }
0x3e: {  	_ =	shalt  }
0x3f: {  	_ =	shalt  }
0x40: {  	_ =	shalt  }
0x41: {  	_ =	shalt  }
0x42: {  	_ =	shalt  }
0x43: {  	_ =	shalt  }
0x44: {  	_ =	shalt  }
0x45: {  	_ =	shalt  }
0x46: {  	_ =	shalt  }
0x47: {  	_ =	shalt  }
0x48: {  	_ =	shalt  }
0x49: {  	_ =	shalt  }
0x4a: {  	_ =	shalt  }
0x4b: {  	_ =	shalt  }
0x4c: {  	_ =	shalt  }
0x4d: {  	_ =	shalt  }
0x4e: {  	_ =	shalt  }
0x4f: {  	_ =	shalt  }
0x50: {  	_ =	shalt  }
0x51: {  	_ =	shalt  }
0x52: {  	_ =	shalt  }
0x53: {  	_ =	shalt  }
0x54: {  	_ =	shalt  }
0x55: {  	_ =	shalt  }
0x56: {  	_ =	shalt  }
0x57: {  	_ =	shalt  }
0x58: {  	_ =	shalt  }
0x59: {  	_ =	shalt  }
0x5a: {  	_ =	shalt  }
0x5b: {  	_ =	shalt  }
0x5c: {  	_ =	shalt  }
0x5d: {  	_ =	shalt  }
0x5e: {  	_ =	shalt  }
0x5f: {  	_ =	shalt  }
0x60: {  	_ =	shalt  }
0x61: {  	_ =	shalt  }
0x62: {  	_ =	shalt  }
0x63: {  	_ =	shalt  }
0x64: {  	_ =	shalt  }
0x65: {  	_ =	shalt  }
0x66: {  	_ =	shalt  }
0x67: {  	_ =	shalt  }
0x68: {  	_ =	shalt  }
0x69: {  	_ =	shalt  }
0x6a: {  	_ =	shalt  }
0x6b: {  	_ =	shalt  }
0x6c: {  	_ =	shalt  }
0x6d: {  	_ =	shalt  }
0x6e: {  	_ =	shalt  }
0x6f: {  	_ =	shalt  }
0x70: {  	_ =	shalt  }
0x71: {  	_ =	shalt  }
0x72: {  	_ =	shalt  }
0x73: {  	_ =	shalt  }
0x74: {  	_ =	shalt  }
0x75: {  	_ =	shalt  }
0x76: {  	_ =	shalt  }
0x77: {  	_ =	shalt  }
0x78: {  	_ =	shalt  }
0x79: {  	_ =	shalt  }
0x7a: {  	_ =	shalt  }
0x7b: {  	_ =	shalt  }
0x7c: {  	_ =	shalt  }
0x7d: {  	_ =	shalt  }
0x7e: {  	_ =	shalt  }
0x7f: {  	_ =	shalt  }
0x80: {  	_ =	shalt  }
0x81: {  	_ =	shalt  }
0x82: {  	_ =	shalt  }
0x83: {  	_ =	shalt  }
0x84: {  	_ =	shalt  }
0x85: {  	_ =	shalt  }
0x86: {  	_ =	shalt  }
0x87: {  	_ =	shalt  }
.Lfunc_end0:
.L_simem_size_0:
called_computation_lowered:
.L_overlay_start_0:
0x88: {  	s2 =	sld [smem:$0x3FD9]  }
0x89: {  	s3 =	sld [smem:$0x3FFE];
	_ =	sdelay $0x1  }
0x8a: {  	s1 =	srdreg.scid  }
0x8b: {  	s0 =	sand.u32 $0x1, s1  }
0x8c: {  	s17 =	sshll.u32 s0, $0xA;
	s2 =	sadd.s32 s3, s2  }
0x8d: {  	s2 =	sadd.s32 s2, s17  }
0x8e: {  	[smem:$0x3FC6] =	sst s2  }
0x8f: {  	_ = 	snop  }
0x90: {  	s2 =	sld [smem:$0x3FC9];
	(tm) =	ssettm $0x1  }
0x91: {  	s18 =	sld [smem:$0x3FFB];
	_ =	sdelay $0x3  }
0x92: {  	_ =	strace s18  }
0x93: {  	s3 =	sld [smem:$0x3FFC];
	_ =	sdelay $0x3  }
0x94: {  	_ =	strace s3  }
0x95: {  	s3 =	sld [smem:$0x3FFD];
	_ =	sdelay $0x3  }
0x96: {  	_ =	strace s3  }
0x97: {  	_ =	strace $0x8FFFFFFF  }
0x98: {  	s19 =	sld [smem:$0x3FDB];
	_ =	sdelay $0x1  }
0x99: {  	s4 =	simm.s32 $_scs_section_size  }
0x9a: {  	s5 =	simm.s32 $_size__tile_overlayer_lowered;
	s6 =	simm.s32 $_tile_overlayer_lowered  }
0x9b: {  	s22 =	simm.s32 $0x1BFF;
	s21 =	sshll.u32 s6, $0x1;
	s3 =	sadd.s32 s4, s19  }
0x9c: {  	s7 =	simm.s32 $0x0;
	s20 =	sshll.u32 s5, $0x1;
	s5 =	sadd.s32 s21, s3  }
0x9d: {  	[timem:s7], [sflag:s22] =	dma.local [hbm:s5], s20  }
0x9e: {  	_ =	swait.ge [sflag:s22], s20  }
0x9f: {  	s4 =	ssub.s32 $0x0, s20;
	[sflag:s22] =	ssyncset.done $0x0  }
0xa0: {  	[sflag:s22] =	ssyncadd.s32 s4;
	_ =	sdelay $0x1  }
0xa1: {  	s23 =	simm.s32 $0x1B8B  }
0xa2: {  	_ =	swait.ge [sflag:s23], $0x1  }
0xa3: {  	[sflag:s23] =	ssyncset.done $0x0  }
0xa4: {  	s25 =	simm.s32 $0x1B8E;
	s24 =	sld [smem:$0x3FFE];
	[sflag:s23] =	ssyncadd.s32 $0xFFFFFFFF  }
0xa5: {  	s26 =	simm.s32 $execute0_lowered;
	[smem:$0x3FD2] =	sst s25  }
0xa6: {  	s5 =	sshll.u32 s26, $0x1;
	_ =	strace $0x80000046;
	[dreg:$0x1] =	wrdreg $0xFFFFFFFF  }
0xa7: {  	s28 =	simm.s32 $_size_execute0_lowered;
	s3 =	sadd.s32 s3, s5;
	[dreg:$0x0] =	wrdreg $0x0  }
0xa8: {  	s5 =	sshll.u32 s28, $0x1;
	[dreg:$0x2] =	wrdreg s3  }
0xa9: {  	[dreg:$0x3] =	wrdreg s5  }
0xaa: {  	[dreg:$0x4] =	wrdreg $0xC0  }
0xab: {  	_ =	task [dreg:s7], $0x5FFFF  }
0xac: {  	[dreg:$0x1] =	wrdreg $0xFFFFFFFF  }
0xad: {  	[dreg:$0x0] =	wrdreg $0x60  }
0xae: {  	[dreg:$0x2] =	wrdreg s2  }
0xaf: {  	[dreg:$0x3] =	wrdreg s24  }
0xb0: {  	[dreg:$0x4] =	wrdreg $0x9  }
0xb1: {  	_ =	task.clear_ibuf [dreg:s7], $0x5FFFF;
	_ =	strace $0x90000046  }
0xb2: {  	s29 =	simm.s32 $0x9;
	_ =	strace $0x80000048  }
0xb3: {  	_ =	swait.ge [sflag:s29], $0x1  }
0xb4: {  	[sflag:s29] =	ssyncadd.s32 $0xFFFFFFFF  }
0xb5: {  	_ =	strace $0x90000048  }
0xb6: {  	_ =	sfence  }
0xb7: {  	s30 =	sld [smem:$0x0];
	_ =	sdelay $0x2  }
0xb8: {  	s31 =	sshll.u32 s1, $0xD;
	s1 =	sshrl.u32 s1, $0x2  }
0xb9: {  	s3 =	sand.u32 $0x4000, s31;
	s1 =	sadd.s32 s1, s30  }
0xba: {  	s0 =	sor.u32 s3, s0;
	s1 =	sshll.u32 s1, $0x11  }
0xbb: {  	s0 =	sor.u32 s1, s0  }
0xbc: {  	s0 =	sadd.s32 $0x8F2B, s0  }
0xbd: {  	[sflag:s0] =	ssyncadd.remote.s32 $0x1  }
0xbe: {  	_ =	sfence.sel $0xFFFF  }
0xbf: {  	[dreg:$0x0] =	wrdreg $0xFFFFFFFF;
	(pc) =	sbr.abs _section_cstart, $3  }
0xc0: {  	[dreg:$0x1] =	wrdreg $0xFFFFFFFF  }
0xc1: {  	_ =	task.clear_ibuf [dreg:s7], $0x2FFFF;
	_ =	strace $0x9FFFFFFF  }
0xc2: {  	(tm) =	ssettm $0x7FFFFFFF  }
0xc3: {  	_ =	shalt  }
tec
execute0_lowered:
.L_overlay_start_1:
0x0: {  	(tag) =	ssettag $0x1  }
0x1: {  	s2 =	rddreg [dreg:$0x0];
	s0 =	srdreg.scid  }
0x2: {  	s5 =	rddreg [dreg:$0x1];
	s1 =	stileid.u32;
	s6 =	simm.s32 $0x1  }
0x3: {  	s9 =	simm.s32 $0x1;
	s10 =	simm.s32 $0x3;
	s3 =	sshll.u32 s0, $0x8  }
0x4: {  	s13 =	simm.s32 $0x0;
	s4 =	sshll.u32 s1, $0x9;
	s3 =	sand.u32 $0x100, s3  }
0x5: {  	s0 =	rddreg [dreg:$0x2];
	_ =	strace $0x80000047;
	s3 =	sor.u32 s4, s3  }
0x6: {  	s12 =	simm.s32 $0x0;
	[sflag:s6] =	ssyncpa.u1 $0x0;
	s8 =	ssub.s32 $0x4000, s3  }
.Ltmp0:
0x7: {  	s4 =	sadd.s32 $0x200600, s5;
	s7 =	sand.u32 $0x1F00, s8;
	(pc) =	sbr.rel .LBB2_1-.Ltmp0, $4  }
0x8: {  	s5 =	sadd.s32 $0x200E00, s5;
	s11 =	smov.u32 s3;
	p0 =	sne.s32 s7, $0x0  }
0x9: {  	s8 =	sshrl.u32 s8, $0xD;
	s7 =	simm.s32 $0x2;
	s9 =	simm.s32 @!p0 $0x0  }
0xa: {  	[sflag:s7] =	ssyncpa.u1 $0x0;
	p0 =	por $0x0, $0x0;
	s8 =	sadd.s32 s9, s8  }
0xb: {  	vm0 =	vmmov $0xffff;
	[sflag:s10] =	ssyncpa.u1 $0x0;
	s10 =	simm.s32 $0x0;
	s9 =	sadd.s32 $0x1, s8  }
.LBB2_4:
0xc: {  	vm1 =	veq.s32 v0, $0x80000000;
	v63 =	vand.u32 $0x3FFF, v0;
	v2 =	vand.u32 $0x3FF, v2  }
0xd: {  	v0 =	vsel vm1, $0xFFFFFFFF, v63;
	v2 =	vsel vm1, $0xFFFFFFFF, v2  }
0xe: {  	v3 =	vshll.u32 v2, $0xE;
	v4 =	vshll.u32 v0, $0x3  }
0xf: {  	v2 =	vshll.u32 v2, $0x7;
	v3 =	vand.u32 $0xFFFE0000, v3;
	v4 =	vand.u32 $0xFFFFFC00, v4  }
0x10: {  	v2 =	vand.u32 $0x380, v2;
	v3 =	vadd.s32 v4, v3  }
0x11: {  	v0 =	vand.u32 $0x7F, v0;
	v2 =	vor.u32 v2, v3  }
0x12: {  	v0 =	vor.u32 v0, v2;
	_ =	sdelay $0x1  }
0x13: {  	(ifvalue) =	ssetifvalue $0x7FFFFFFF;
	s14 =	sadd.s32 $0x10, s14  }
0x14: {  	[tilespmem:s14], [sflag:$0x1] =	stream.indirect_vreg.gather [hbm4b:s2+s10], $0x1, v1, vm0, $0x4038;
	[tilespmem:$0x400] =	vst v63  }
0x15: {  	(ifvalue) =	ssetifvalue $0x7FFFFFFF;
	s14 =	sadd.s32 $0x10, s14  }
0x16: {  	[tilespmem:s14], [sflag:$0x1] =	stream.indirect_vreg.gather [hbm4b:s2+s10], $0x1, v0, vm0, $0x4038;
	[tilespmem:$0x400] =	vst v63  }
0x17: {  	_ =	swait.ge [sflag:s6], $0x100  }
0x18: {  	s30 =	sshrl.u32 s13, $0x3;
	[sflag:s6] =	ssyncset.done $0x0  }
0x19: {  	s31 =	sand.u32 $0x7, s13;
	s14 =	sadd.s32 s5, s30;
	[sflag:s6] =	ssyncadd.s32 $0xFFFFFF00  }
0x1a: {  	[hbm4b:s14+s31] =	stream.linear.scatter [tilespmem:s15], [sflag:$0x3], $0x100, $0x38;
	[tilespmem:$0x400] =	vst v63  }
.LBB2_5:
0x1b: {  	s15 =	sadd.s32 $0x2000, s11  }
0x1c: {  	p2 =	sgt.s32 s15, $0x3FFF  }
0x1d: {  	s15 =	smov.u32 @p2 s3;
	p2 =	sne.s32 s12, s9  }
.Ltmp1:
0x1e: {  	p1 =	slt.u32 s12, $0x2;
	(pc) =	sbr.rel @!p2 .LBB2_6-.Ltmp1, $4  }
0x1f: {  	s14 =	simm.s32 @!p1 $0x3  }
0x20: {  	s16 =	sadd.s32 $0x1, s12;
	_ =	swait.ge @!p1 [sflag:s14], $0x100  }
0x21: {  	s13 =	smov.u32 s11;
	p0 =	por !p0, !p0;
	[sflag:s14] =	ssyncset.done @!p1 $0x0  }
0x22: {  	s12 =	smov.u32 s16;
	s11 =	smov.u32 s15;
	[sflag:s14] =	ssyncadd.s32 @!p1 $0xFFFFFF00  }
.LBB2_1:
0x23: {  	p1 =	sge.u32 s12, s8  }
0x24: {  	s14 =	sxor.u32 @!p1 $0xFFFFFFFF, s12  }
0x25: {  	s31 =	sadd.s32 $0xFFFFFFFF, s12;
	s15 =	sshrl.u32 @!p1 s11, $0x3;
	s14 =	sshll.u32 @!p1 s14, $0x8  }
0x26: {  	s16 =	sand.u32 @!p1 $0x7, s11;
	s15 =	sadd.s32 @!p1 s4, s15;
	s14 =	sand.u32 @!p1 $0x100, s14  }
0x27: {  	[tilespmem:s14], [sflag:$0x2] =	stream.linear.gather @!p1 [hbm4b:s15+s16], $0x100, $0x38;
	[tilespmem:$0x400] =	vst v63  }
0x28: {  	p1 =	sge.u32 s31, s8  }
.Ltmp2:
0x29: {  	_ = 	snop;
	(pc) =	sbr.rel @p1 .LBB2_5-.Ltmp2, $1  }
0x2a: {  	_ =	sdelay $0x3  }
0x2b: {  	s14 =	simm.s32 $0x1  }
0x2c: {  	_ =	swait.ge [sflag:s7], $0x100;
	s14 =	simm.s32 @!p0 $0x0  }
0x2d: {  	[sflag:s7] =	ssyncset.done $0x0;
	s14 =	sshll.u32 s14, $0x8  }
0x2e: {  	[sflag:s7] =	ssyncadd.s32 $0xFFFFFF00;
	(ifvalue) =	ssetifvalue $0x7FFFFFFF;
	v0 =	vld.msk [tilespmem:s14+$0x0 ss:$0x1], $0xffff;
	_ =	sdelay $0x4  }
0x2f: {  	s15 =	sadd.s32 $0x10, s14;
	v1 =	vshrl.u32 v0, $0xE  }
0x30: {  	v2 =	vld.msk [tilespmem:s15+$0x0 ss:$0x1], $0xffff;
	vm1 =	veq.s32 v0, $0x80000000;
	v0 =	vand.u32 $0x3FFF, v0;
	v1 =	vand.u32 $0x3FF, v1  }
0x31: {  	v0 =	vsel vm1, $0xFFFFFFFF, v0;
	v1 =	vsel vm1, $0xFFFFFFFF, v1  }
0x32: {  	v4 =	vshll.u32 v0, $0x3;
	v3 =	vshll.u32 v1, $0xE  }
0x33: {  	v4 =	vand.u32 $0xFFFFFC00, v4;
	v1 =	vshll.u32 v1, $0x7;
	v3 =	vand.u32 $0xFFFE0000, v3  }
0x34: {  	v0 =	vand.u32 $0x7F, v0;
	v1 =	vand.u32 $0x380, v1;
	v3 =	vadd.s32 v4, v3  }
0x35: {  	vm1 =	veq.s32 v2, $0x80000000;
	v1 =	vor.u32 v1, v3;
	v3 =	vshrl.u32 v2, $0xE  }
0x36: {  	s17 =	sadd.s32 $0x10, s15;
	v2 =	vand.u32 $0x3FFF, v2;
	v1 =	vor.u32 v0, v1;
	v3 =	vand.u32 $0x3FF, v3  }
0x37: {  	v0 =	vld.msk [tilespmem:s17+$0x0 ss:$0x1], $0xffff;
	v2 =	vsel vm1, $0xFFFFFFFF, v2;
	v3 =	vsel vm1, $0xFFFFFFFF, v3  }
0x38: {  	v5 =	vshll.u32 v2, $0x3;
	v63 =	vshll.u32 v3, $0xE  }
0x39: {  	s31 =	sshll.u32 s12, $0x8;
	v5 =	vand.u32 $0xFFFFFC00, v5;
	v3 =	vshll.u32 v3, $0x7;
	v4 =	vand.u32 $0xFFFE0000, v63  }
0x3a: {  	s14 =	sor.u32 $0x200, s14;
	s15 =	sand.u32 $0x100, s31;
	(ifvalue) =	ssetifvalue $0x7FFFFFFF;
	v3 =	vand.u32 $0x380, v3;
	v4 =	vadd.s32 v5, v4  }
0x3b: {  	[tilespmem:s14], [sflag:$0x1] =	stream.indirect_vreg.gather [hbm4b:s2+s10], $0x1, v1, vm0, $0x4038;
	v1 =	vand.u32 $0x7F, v2;
	v3 =	vor.u32 v3, v4;
	[tilespmem:$0x400] =	vst v63  }
0x3c: {  	s16 =	simm.s32 $0x20;
	s15 =	sor.u32 $0x200, s15;
	s17 =	sadd.s32 $0x10, s17;
	v2 =	vshrl.u32 v0, $0xE;
	v1 =	vor.u32 v1, v3  }
.LBB2_3:
0x3d: {  	s16 =	sadd.s32 $0x10, s16;
	vm1 =	veq.s32 v0, $0x80000000;
	v3 =	vand.u32 $0x3FFF, v0;
	v0 =	vld.msk [tilespmem:s17+$0x0 ss:$0x1], $0xffff;
	v2 =	vand.u32 $0x3FF, v2  }
0x3e: {  	p1 =	slt.u32 s16, $0xF0;
	v3 =	vsel vm1, $0xFFFFFFFF, v3;
	v2 =	vsel vm1, $0xFFFFFFFF, v2  }
.Ltmp3:
0x3f: {  	v4 =	vshll.u32 v2, $0xE;
	v5 =	vshll.u32 v3, $0x3;
	(pc) =	sbr.rel @p1 .LBB2_3-.Ltmp3, $4  }
0x40: {  	s14 =	sadd.s32 $0x10, s14;
	v2 =	vshll.u32 v2, $0x7;
	v4 =	vand.u32 $0xFFFE0000, v4;
	v5 =	vand.u32 $0xFFFFFC00, v5;
	(ifvalue) =	ssetifvalue $0x7FFFFFFF  }
0x41: {  	v2 =	vand.u32 $0x380, v2;
	v4 =	vadd.s32 v5, v4;
	[tilespmem:s14], [sflag:$0x1] =	stream.indirect_vreg.gather [hbm4b:s2+s10], $0x1, v1, vm0, $0x4038;
	[tilespmem:$0x400] =	vst v63  }
0x42: {  	v1 =	vand.u32 $0x7F, v3;
	v3 =	vor.u32 v2, v4  }
0x43: {  	s17 =	sadd.s32 $0x10, s17;
	v2 =	vshrl.u32 v0, $0xE;
	v1 =	vor.u32 v1, v3  }
.Ltmp4:
0x44: {  	_ = 	snop;
	(pc) =	sbr.rel .LBB2_4-.Ltmp4, $1  }
0x45: {  	_ =	sdelay $0x3  }
.LBB2_6:
0x46: {  	_ =	sfence.sel $0x180000  }
0x47: {  	s2 =	simm.s32 $0x2;
	[bflag:$0x0] =	sbarrier.arrive $0xFFFF  }
0x48: {  	s30 =	simm.s32 $0x3;
	[sflag:s2] =	ssyncpa.u1 $0x1  }
0x49: {  	s31 =	simm.s32 $0x1;
	[sflag:s30] =	ssyncpa.u1 $0x1  }
0x4a: {  	[sflag:s31] =	ssyncpa.u1 $0x1  }
0x4b: {  	p0 =	sne.s32 s1, $0x0;
	_ =	strace $0x90000047  }
0x4c: {  	s0 =	sadd.s32 @!p0 $0x100000, s0;
	[bflag:$0x2] =	sbarrier.arrive $0xFFFF  }
0x4d: {  	[sflag:s0] =	ssyncadd.tile.s32 @!p0 $0x1;
	_ =	shalt  }
.Lfunc_end2:
_tile_overlayer_lowered:
.L_overlay_start_2:
0x4e: {  	(tag) =	ssettag $0x2  }
0x4f: {  	s0 =	rddreg [dreg:$0x0];
	s2 =	stileid.u32  }
0x50: {  	s1 =	rddreg [dreg:$0x1];
	p0 =	sne.s32 s2, $0x0  }
0x51: {  	s3 =	rddreg [dreg:$0x2];
	[bflag:$0x3] =	sbarrier.arrive $0xFFFF;
	s2 =	simm.s32 @!p0 $0x1C01  }
0x52: {  	[timem:s3], [sflag:s2] =	dma.local @!p0 [hbm:s0], s1  }
0x53: {  	s0 =	simm.s32 @!p0 $0x1  }
0x54: {  	_ =	swait.ge @!p0 [sflag:s0], s1  }
0x55: {  	s1 =	ssub.s32 @!p0 $0x0, s1;
	[sflag:s0] =	ssyncset.done @!p0 $0x0  }
0x56: {  	[sflag:s0] =	ssyncadd.s32 @!p0 s1  }
0x57: {  	[bflag:$0x3] =	sbarrier.arrive $0xFFFF  }
0x58: {  	_ =	shalt  }

</sc_bundles>
